<compile_context>
chip_gen: v7x
topology: tpu7x:2x2x1
jax: 0.10.2.dev20260603
libtpu: 0.0.44.dev20260713+nightly
codegen_flags: <defaults>
</compile_context>

<pallas_src>
import functools

import jax
import jax.numpy as jnp
from jax import lax
from jax.experimental import pallas as pl
from jax.experimental.pallas import tpu as pltpu
from jax.experimental.pallas import tpu_sc as plsc

_B = 32
_S = 32
_V = 30522
_NT = 239
_L = 16


def _row_body(ids_hbm, w_hbm, out_hbm, ids_v, g_v, rowf, sem):
    wid = lax.axis_index("s") * 2 + lax.axis_index("c")

    pltpu.sync_copy(ids_hbm.at[wid], ids_v)
    gather = pltpu.async_copy(w_hbm.at[ids_v], g_v, sem)

    zero16 = jnp.zeros((_L,), jnp.float32)

    def _zero(j, carry):
        for c in range(8):
            rowf[j, pl.ds(c * _L, _L)] = zero16
        return carry

    lax.fori_loop(0, 120, _zero, 0, unroll=2)

    gather.wait()

    i0 = ids_v[pl.ds(0, _L)]
    i1 = ids_v[pl.ds(_L, _L)]
    g0 = g_v[pl.ds(0, _L)]
    g1 = g_v[pl.ds(_L, _L)]

    first = lax.broadcast(i0[0], (_L,))
    diff = (i0 ^ first) | (i1 ^ first)
    acc = diff[0]
    for j in range(1, _L):
        acc = acc | diff[j]
    eqv = lax.broadcast(acc == 0, (_L,))
    v0 = jnp.where(eqv, g0, jnp.maximum(g0, 0.0))
    v1 = jnp.where(eqv, g1, jnp.maximum(g1, 0.0))

    j0 = i0 >> 7
    j1 = i1 >> 7
    m = wid >> 3
    r = wid & 7
    plsc.store_scatter(rowf, [j0, i0 & 127], v0, mask=j0 < 120)
    plsc.store_scatter(rowf, [j1, i1 & 127], v1, mask=j1 < 120)
    lo = pltpu.async_copy(
        rowf.at[pl.ds(0, 120), :], out_hbm.at[m, pl.ds(0, 120), r, :], sem
    )

    lax.fori_loop(120, _NT, _zero, 0, unroll=2)
    plsc.store_scatter(rowf, [j0, i0 & 127], v0, mask=j0 >= 120)
    plsc.store_scatter(rowf, [j1, i1 & 127], v1, mask=j1 >= 120)
    pltpu.sync_copy(
        rowf.at[pl.ds(120, _NT - 120), :],
        out_hbm.at[m, pl.ds(120, _NT - 120), r, :],
    )
    lo.wait()


@jax.jit
def _encode(input_ids, weights):
    call = functools.partial(
        pl.kernel,
        out_type=jax.ShapeDtypeStruct((_B // 8, _NT, 8, 128), jnp.float32),
        mesh=plsc.VectorSubcoreMesh(core_axis_name="c", subcore_axis_name="s"),
        compiler_params=pltpu.CompilerParams(
            needs_layout_passes=False, use_tc_tiling_on_sc=False
        ),
        scratch_types=[
            pltpu.VMEM((_S,), jnp.int32),
            pltpu.VMEM((_S,), jnp.float32),
            pltpu.VMEM((_NT, 128), jnp.float32),
            pltpu.SemaphoreType.DMA,
        ],
    )(_row_body)
    return call(input_ids, weights)


def kernel(input_ids, weights):
    tiles = _encode(input_ids, weights)
    full = jnp.transpose(tiles, (0, 2, 1, 3)).reshape(_B, _NT * 128)
    return full[:, :_V].astype(jnp.bfloat16)

# --- scband reference (transcript-rebuilt; emitter-appended) ---
"""Pipeline reference for scband-target-encoder-532575944857 (READ-ONLY COPY).

The authoritative reference and input builder live on the scoring server;
editing this copy changes nothing except your own understanding.
"""

import jax, jax.numpy as jnp
import numpy as np

NUM_CLASSES = 30522
BATCH = 32
SEQ = 32


def setup_inputs(seed: int = 0) -> dict:
    key = jax.random.key(seed)
    k1, k2 = jax.random.split(key)
    input_ids = jax.random.randint(k1, (BATCH, SEQ), 0, NUM_CLASSES, dtype=jnp.int32)
    weights = jax.random.normal(k2, (NUM_CLASSES,), dtype=jnp.float32)
    return {"input_ids": input_ids, "weights": weights}


def reference(input_ids, weights):
    # torch: x = F.one_hot(x['input_ids'], num_classes=30522)  -> [B, S, V]
    oh = jax.nn.one_hot(input_ids, NUM_CLASSES, dtype=jnp.float32)
    # torch: x = x * weights  (broadcast weights[V] over [B, S, V])
    x = oh * weights
    # torch: x = torch.max(x, dim=1)[0]  -> [B, V]
    x = jnp.max(x, axis=1)
    # torch: x = x.bfloat16()
    return x.astype(jnp.bfloat16)

if __name__ == "__main__":
    import jax
    _d = setup_inputs()
    print(jax.jit(kernel)(*tuple(_d.values())))

</pallas_src>

<mosaic_0001>
#map = affine_map<(d0, d1) -> (0, 0)>
#map1 = affine_map<(d0, d1) -> (0)>
#map2 = affine_map<(d0, d1) -> (0, 0, 0, 0)>
module attributes {stable_mosaic.version = 14 : i64} {
  func.func @_row_body(%arg0: i32, %arg1: i32, %arg2: memref<32x32xi32, #tpu.memory_space<hbm>>, %arg3: memref<30522xf32, #tpu.memory_space<hbm>>, %arg4: memref<4x239x8x128xf32, #tpu.memory_space<hbm>>, %arg5: memref<32xi32, #tpu.memory_space<vmem>>, %arg6: memref<32xf32, #tpu.memory_space<vmem>>, %arg7: memref<239x128xf32, #tpu.memory_space<vmem>>, %arg8: memref<!tpu.dma_semaphore, #tpu.memory_space<semaphore_mem>>) attributes {dimension_semantics = [#tpu.dimension_semantics<core_parallel>, #tpu.dimension_semantics<subcore_parallel>], iteration_bounds = array<i64: 2, 16>, scalar_prefetch = 0 : i64, scratch_operands = 4 : i64, tpu.core_type = #tpu.core_type<sc_vector_subcore>, window_params = [{transform_indices = #map}, {transform_indices = #map1}, {transform_indices = #map2}]} {
    %mul3A = arith.constant 2 : i32
    %mul3A_0 = arith.muli %arg1, %mul3A : i32
    %add3A = arith.addi %mul3A_0, %arg0 : i32
    "tpu.region"() ({
      %run_scoped3A = tpu.sem_alloc : memref<!tpu.dma_semaphore, #tpu.memory_space<semaphore_mem>>
      %dma_start3A_162 = arith.constant 0 : i32
      %dma_start3A_163 = tpu.memref_slice %arg2[%add3A, %dma_start3A_162] : memref<32x32xi32, #tpu.memory_space<hbm>> -> memref<1x32xi32, #tpu.memory_space<hbm>>
      %dma_start3A_164 = tpu.memref_squeeze %dma_start3A_163 : memref<1x32xi32, #tpu.memory_space<hbm>> -> memref<32xi32, #tpu.memory_space<hbm>>
      %dma_start3A_165 = arith.constant 0 : i32
      %dma_start3A_166 = tpu.memref_slice %arg2[%add3A, %dma_start3A_165] : memref<32x32xi32, #tpu.memory_space<hbm>> -> memref<1x32xi32, #tpu.memory_space<hbm>>
      %dma_start3A_167 = tpu.memref_squeeze %dma_start3A_166 : memref<1x32xi32, #tpu.memory_space<hbm>> -> memref<32xi32, #tpu.memory_space<hbm>>
      tpu.enqueue_dma source(%dma_start3A_167 : memref<32xi32, #tpu.memory_space<hbm>>) target(%arg5 : memref<32xi32, #tpu.memory_space<vmem>>) target_semaphore(%run_scoped3A : memref<!tpu.dma_semaphore, #tpu.memory_space<semaphore_mem>>)
      %dma_wait3A_168 = arith.constant 0 : i32
      %dma_wait3A_169 = tpu.memref_slice %arg2[%add3A, %dma_wait3A_168] : memref<32x32xi32, #tpu.memory_space<hbm>> -> memref<1x32xi32, #tpu.memory_space<hbm>>
      %dma_wait3A_170 = tpu.memref_squeeze %dma_wait3A_169 : memref<1x32xi32, #tpu.memory_space<hbm>> -> memref<32xi32, #tpu.memory_space<hbm>>
      %dma_wait3A_171 = arith.constant 0 : i32
      %dma_wait3A_172 = tpu.memref_slice %arg2[%add3A, %dma_wait3A_171] : memref<32x32xi32, #tpu.memory_space<hbm>> -> memref<1x32xi32, #tpu.memory_space<hbm>>
      %dma_wait3A_173 = tpu.memref_squeeze %dma_wait3A_172 : memref<1x32xi32, #tpu.memory_space<hbm>> -> memref<32xi32, #tpu.memory_space<hbm>>
      tpu.wait_dma2 semaphore(%run_scoped3A : memref<!tpu.dma_semaphore, #tpu.memory_space<semaphore_mem>>) src(%dma_wait3A_173 : memref<32xi32, #tpu.memory_space<hbm>>) dst(%arg5 : memref<32xi32, #tpu.memory_space<vmem>>)
      tpu.yield
    }) : () -> ()
    %dma_start3A = arith.constant 0 : i32
    %dma_start3A_1 = tpu.memref_slice %arg3[%dma_start3A] : memref<30522xf32, #tpu.memory_space<hbm>> -> memref<30522xf32, #tpu.memory_space<hbm>>
    tpu.enqueue_indirect_dma source(%dma_start3A_1 : memref<30522xf32, #tpu.memory_space<hbm>>) target(%arg6 : memref<32xf32, #tpu.memory_space<vmem>>) offsets(%arg5 : memref<32xi32, #tpu.memory_space<vmem>>) semaphore(%arg8 : memref<!tpu.dma_semaphore, #tpu.memory_space<semaphore_mem>>)
    %broadcast_in_dim3A = arith.constant 0.000000e+00 : f32
    %broadcast_in_dim3A_2 = vector.broadcast %broadcast_in_dim3A : f32 to vector<16xf32>
    %scan3A = arith.constant 0 : i32
    %scan3A_3 = arith.constant 0 : i32
    %scan3A_4 = arith.constant 120 : i32
    %scan3A_5 = arith.addi %scan3A_3, %scan3A_4 : i32
    %scan3A_6 = arith.constant 2 : i32
    scf.for %scan3A_162 = %scan3A_3 to %scan3A_5 step %scan3A_6  : i32 {
      %swap3A_163 = arith.index_cast %scan3A_162 : i32 to index
      %swap3A_164 = arith.constant 0 : index
      %swap3A_165 = tpu.vector_load %arg7[%swap3A_163, %swap3A_164] {strides = array<i32>} : memref<239x128xf32, #tpu.memory_space<vmem>>, vector<16xf32>,
      tpu.vector_store %arg7[%swap3A_163, %swap3A_164], %broadcast_in_dim3A_2 {strides = array<i32>} : memref<239x128xf32, #tpu.memory_space<vmem>>, vector<16xf32>,
      %swap3A_166 = arith.index_cast %scan3A_162 : i32 to index
      %swap3A_167 = arith.constant 16 : index
      %swap3A_168 = tpu.vector_load %arg7[%swap3A_166, %swap3A_167] {strides = array<i32>} : memref<239x128xf32, #tpu.memory_space<vmem>>, vector<16xf32>,
      tpu.vector_store %arg7[%swap3A_166, %swap3A_167], %broadcast_in_dim3A_2 {strides = array<i32>} : memref<239x128xf32, #tpu.memory_space<vmem>>, vector<16xf32>,
      %swap3A_169 = arith.index_cast %scan3A_162 : i32 to index
      %swap3A_170 = arith.constant 32 : index
      %swap3A_171 = tpu.vector_load %arg7[%swap3A_169, %swap3A_170] {strides = array<i32>} : memref<239x128xf32, #tpu.memory_space<vmem>>, vector<16xf32>,
      tpu.vector_store %arg7[%swap3A_169, %swap3A_170], %broadcast_in_dim3A_2 {strides = array<i32>} : memref<239x128xf32, #tpu.memory_space<vmem>>, vector<16xf32>,
      %swap3A_172 = arith.index_cast %scan3A_162 : i32 to index
      %swap3A_173 = arith.constant 48 : index
      %swap3A_174 = tpu.vector_load %arg7[%swap3A_172, %swap3A_173] {strides = array<i32>} : memref<239x128xf32, #tpu.memory_space<vmem>>, vector<16xf32>,
      tpu.vector_store %arg7[%swap3A_172, %swap3A_173], %broadcast_in_dim3A_2 {strides = array<i32>} : memref<239x128xf32, #tpu.memory_space<vmem>>, vector<16xf32>,
      %swap3A_175 = arith.index_cast %scan3A_162 : i32 to index
      %swap3A_176 = arith.constant 64 : index
      %swap3A_177 = tpu.vector_load %arg7[%swap3A_175, %swap3A_176] {strides = array<i32>} : memref<239x128xf32, #tpu.memory_space<vmem>>, vector<16xf32>,
      tpu.vector_store %arg7[%swap3A_175, %swap3A_176], %broadcast_in_dim3A_2 {strides = array<i32>} : memref<239x128xf32, #tpu.memory_space<vmem>>, vector<16xf32>,
      %swap3A_178 = arith.index_cast %scan3A_162 : i32 to index
      %swap3A_179 = arith.constant 80 : index
      %swap3A_180 = tpu.vector_load %arg7[%swap3A_178, %swap3A_179] {strides = array<i32>} : memref<239x128xf32, #tpu.memory_space<vmem>>, vector<16xf32>,
      tpu.vector_store %arg7[%swap3A_178, %swap3A_179], %broadcast_in_dim3A_2 {strides = array<i32>} : memref<239x128xf32, #tpu.memory_space<vmem>>, vector<16xf32>,
      %swap3A_181 = arith.index_cast %scan3A_162 : i32 to index
      %swap3A_182 = arith.constant 96 : index
      %swap3A_183 = tpu.vector_load %arg7[%swap3A_181, %swap3A_182] {strides = array<i32>} : memref<239x128xf32, #tpu.memory_space<vmem>>, vector<16xf32>,
      tpu.vector_store %arg7[%swap3A_181, %swap3A_182], %broadcast_in_dim3A_2 {strides = array<i32>} : memref<239x128xf32, #tpu.memory_space<vmem>>, vector<16xf32>,
      %swap3A_184 = arith.index_cast %scan3A_162 : i32 to index
      %swap3A_185 = arith.constant 112 : index
      %swap3A_186 = tpu.vector_load %arg7[%swap3A_184, %swap3A_185] {strides = array<i32>} : memref<239x128xf32, #tpu.memory_space<vmem>>, vector<16xf32>,
      tpu.vector_store %arg7[%swap3A_184, %swap3A_185], %broadcast_in_dim3A_2 {strides = array<i32>} : memref<239x128xf32, #tpu.memory_space<vmem>>, vector<16xf32>,
      %scan3A_187 = arith.constant 1 : i32
      %scan3A_188 = arith.addi %scan3A_162, %scan3A_187 : i32
      %swap3A_189 = arith.index_cast %scan3A_188 : i32 to index
      %swap3A_190 = arith.constant 0 : index
      %swap3A_191 = tpu.vector_load %arg7[%swap3A_189, %swap3A_190] {strides = array<i32>} : memref<239x128xf32, #tpu.memory_space<vmem>>, vector<16xf32>,
      tpu.vector_store %arg7[%swap3A_189, %swap3A_190], %broadcast_in_dim3A_2 {strides = array<i32>} : memref<239x128xf32, #tpu.memory_space<vmem>>, vector<16xf32>,
      %swap3A_192 = arith.index_cast %scan3A_188 : i32 to index
      %swap3A_193 = arith.constant 16 : index
      %swap3A_194 = tpu.vector_load %arg7[%swap3A_192, %swap3A_193] {strides = array<i32>} : memref<239x128xf32, #tpu.memory_space<vmem>>, vector<16xf32>,
      tpu.vector_store %arg7[%swap3A_192, %swap3A_193], %broadcast_in_dim3A_2 {strides = array<i32>} : memref<239x128xf32, #tpu.memory_space<vmem>>, vector<16xf32>,
      %swap3A_195 = arith.index_cast %scan3A_188 : i32 to index
      %swap3A_196 = arith.constant 32 : index
      %swap3A_197 = tpu.vector_load %arg7[%swap3A_195, %swap3A_196] {strides = array<i32>} : memref<239x128xf32, #tpu.memory_space<vmem>>, vector<16xf32>,
      tpu.vector_store %arg7[%swap3A_195, %swap3A_196], %broadcast_in_dim3A_2 {strides = array<i32>} : memref<239x128xf32, #tpu.memory_space<vmem>>, vector<16xf32>,
      %swap3A_198 = arith.index_cast %scan3A_188 : i32 to index
      %swap3A_199 = arith.constant 48 : index
      %swap3A_200 = tpu.vector_load %arg7[%swap3A_198, %swap3A_199] {strides = array<i32>} : memref<239x128xf32, #tpu.memory_space<vmem>>, vector<16xf32>,
      tpu.vector_store %arg7[%swap3A_198, %swap3A_199], %broadcast_in_dim3A_2 {strides = array<i32>} : memref<239x128xf32, #tpu.memory_space<vmem>>, vector<16xf32>,
      %swap3A_201 = arith.index_cast %scan3A_188 : i32 to index
      %swap3A_202 = arith.constant 64 : index
      %swap3A_203 = tpu.vector_load %arg7[%swap3A_201, %swap3A_202] {strides = array<i32>} : memref<239x128xf32, #tpu.memory_space<vmem>>, vector<16xf32>,
      tpu.vector_store %arg7[%swap3A_201, %swap3A_202], %broadcast_in_dim3A_2 {strides = array<i32>} : memref<239x128xf32, #tpu.memory_space<vmem>>, vector<16xf32>,
      %swap3A_204 = arith.index_cast %scan3A_188 : i32 to index
      %swap3A_205 = arith.constant 80 : index
      %swap3A_206 = tpu.vector_load %arg7[%swap3A_204, %swap3A_205] {strides = array<i32>} : memref<239x128xf32, #tpu.memory_space<vmem>>, vector<16xf32>,
      tpu.vector_store %arg7[%swap3A_204, %swap3A_205], %broadcast_in_dim3A_2 {strides = array<i32>} : memref<239x128xf32, #tpu.memory_space<vmem>>, vector<16xf32>,
      %swap3A_207 = arith.index_cast %scan3A_188 : i32 to index
      %swap3A_208 = arith.constant 96 : index
      %swap3A_209 = tpu.vector_load %arg7[%swap3A_207, %swap3A_208] {strides = array<i32>} : memref<239x128xf32, #tpu.memory_space<vmem>>, vector<16xf32>,
      tpu.vector_store %arg7[%swap3A_207, %swap3A_208], %broadcast_in_dim3A_2 {strides = array<i32>} : memref<239x128xf32, #tpu.memory_space<vmem>>, vector<16xf32>,
      %swap3A_210 = arith.index_cast %scan3A_188 : i32 to index
      %swap3A_211 = arith.constant 112 : index
      %swap3A_212 = tpu.vector_load %arg7[%swap3A_210, %swap3A_211] {strides = array<i32>} : memref<239x128xf32, #tpu.memory_space<vmem>>, vector<16xf32>,
      tpu.vector_store %arg7[%swap3A_210, %swap3A_211], %broadcast_in_dim3A_2 {strides = array<i32>} : memref<239x128xf32, #tpu.memory_space<vmem>>, vector<16xf32>,
    }
    %scan3A_7 = arith.constant 120 : i32
    %dma_wait3A = arith.constant 0 : i32
    %dma_wait3A_8 = tpu.memref_slice %arg3[%dma_wait3A] : memref<30522xf32, #tpu.memory_space<hbm>> -> memref<30522xf32, #tpu.memory_space<hbm>>
    tpu.wait_indirect_dma semaphore(%arg8 : memref<!tpu.dma_semaphore, #tpu.memory_space<semaphore_mem>>) src(%dma_wait3A_8 : memref<30522xf32, #tpu.memory_space<hbm>>) dst(%arg6 : memref<32xf32, #tpu.memory_space<vmem>>)
    %get3A = arith.constant 0 : index
    %get3A_9 = tpu.vector_load %arg5[%get3A] {strides = array<i32>} : memref<32xi32, #tpu.memory_space<vmem>>, vector<16xi32>,
    %get3A_10 = arith.constant 16 : index
    %get3A_11 = tpu.vector_load %arg5[%get3A_10] {strides = array<i32>} : memref<32xi32, #tpu.memory_space<vmem>>, vector<16xi32>,
    %get3A_12 = arith.constant 0 : index
    %get3A_13 = tpu.vector_load %arg6[%get3A_12] {strides = array<i32>} : memref<32xf32, #tpu.memory_space<vmem>>, vector<16xf32>,
    %get3A_14 = arith.constant 16 : index
    %get3A_15 = tpu.vector_load %arg6[%get3A_14] {strides = array<i32>} : memref<32xf32, #tpu.memory_space<vmem>>, vector<16xf32>,
    %slice3A = vector.extract_strided_slice %get3A_9 {offsets = [0], sizes = [1], strides = [1]} : vector<16xi32> to vector<1xi32>
    %squeeze3A = vector.extract %slice3A[0] : i32 from vector<1xi32>
    %broadcast_in_dim3A_16 = vector.broadcast %squeeze3A : i32 to vector<16xi32>
    %xor3A = arith.xori %get3A_9, %broadcast_in_dim3A_16 : vector<16xi32>
    %xor3A_17 = arith.xori %get3A_11, %broadcast_in_dim3A_16 : vector<16xi32>
    %or3A = arith.ori %xor3A, %xor3A_17 : vector<16xi32>
    %slice3A_18 = vector.extract_strided_slice %or3A {offsets = [0], sizes = [1], strides = [1]} : vector<16xi32> to vector<1xi32>
    %squeeze3A_19 = vector.extract %slice3A_18[0] : i32 from vector<1xi32>
    %slice3A_20 = vector.extract_strided_slice %or3A {offsets = [1], sizes = [1], strides = [1]} : vector<16xi32> to vector<1xi32>
    %squeeze3A_21 = vector.extract %slice3A_20[0] : i32 from vector<1xi32>
    %or3A_22 = arith.ori %squeeze3A_19, %squeeze3A_21 : i32
    %slice3A_23 = vector.extract_strided_slice %or3A {offsets = [2], sizes = [1], strides = [1]} : vector<16xi32> to vector<1xi32>
    %squeeze3A_24 = vector.extract %slice3A_23[0] : i32 from vector<1xi32>
    %or3A_25 = arith.ori %or3A_22, %squeeze3A_24 : i32
    %slice3A_26 = vector.extract_strided_slice %or3A {offsets = [3], sizes = [1], strides = [1]} : vector<16xi32> to vector<1xi32>
    %squeeze3A_27 = vector.extract %slice3A_26[0] : i32 from vector<1xi32>
    %or3A_28 = arith.ori %or3A_25, %squeeze3A_27 : i32
    %slice3A_29 = vector.extract_strided_slice %or3A {offsets = [4], sizes = [1], strides = [1]} : vector<16xi32> to vector<1xi32>
    %squeeze3A_30 = vector.extract %slice3A_29[0] : i32 from vector<1xi32>
    %or3A_31 = arith.ori %or3A_28, %squeeze3A_30 : i32
    %slice3A_32 = vector.extract_strided_slice %or3A {offsets = [5], sizes = [1], strides = [1]} : vector<16xi32> to vector<1xi32>
    %squeeze3A_33 = vector.extract %slice3A_32[0] : i32 from vector<1xi32>
    %or3A_34 = arith.ori %or3A_31, %squeeze3A_33 : i32
    %slice3A_35 = vector.extract_strided_slice %or3A {offsets = [6], sizes = [1], strides = [1]} : vector<16xi32> to vector<1xi32>
    %squeeze3A_36 = vector.extract %slice3A_35[0] : i32 from vector<1xi32>
    %or3A_37 = arith.ori %or3A_34, %squeeze3A_36 : i32
    %slice3A_38 = vector.extract_strided_slice %or3A {offsets = [7], sizes = [1], strides = [1]} : vector<16xi32> to vector<1xi32>
    %squeeze3A_39 = vector.extract %slice3A_38[0] : i32 from vector<1xi32>
    %or3A_40 = arith.ori %or3A_37, %squeeze3A_39 : i32
    %slice3A_41 = vector.extract_strided_slice %or3A {offsets = [8], sizes = [1], strides = [1]} : vector<16xi32> to vector<1xi32>
    %squeeze3A_42 = vector.extract %slice3A_41[0] : i32 from vector<1xi32>
    %or3A_43 = arith.ori %or3A_40, %squeeze3A_42 : i32
    %slice3A_44 = vector.extract_strided_slice %or3A {offsets = [9], sizes = [1], strides = [1]} : vector<16xi32> to vector<1xi32>
    %squeeze3A_45 = vector.extract %slice3A_44[0] : i32 from vector<1xi32>
    %or3A_46 = arith.ori %or3A_43, %squeeze3A_45 : i32
    %slice3A_47 = vector.extract_strided_slice %or3A {offsets = [10], sizes = [1], strides = [1]} : vector<16xi32> to vector<1xi32>
    %squeeze3A_48 = vector.extract %slice3A_47[0] : i32 from vector<1xi32>
    %or3A_49 = arith.ori %or3A_46, %squeeze3A_48 : i32
    %slice3A_50 = vector.extract_strided_slice %or3A {offsets = [11], sizes = [1], strides = [1]} : vector<16xi32> to vector<1xi32>
    %squeeze3A_51 = vector.extract %slice3A_50[0] : i32 from vector<1xi32>
    %or3A_52 = arith.ori %or3A_49, %squeeze3A_51 : i32
    %slice3A_53 = vector.extract_strided_slice %or3A {offsets = [12], sizes = [1], strides = [1]} : vector<16xi32> to vector<1xi32>
    %squeeze3A_54 = vector.extract %slice3A_53[0] : i32 from vector<1xi32>
    %or3A_55 = arith.ori %or3A_52, %squeeze3A_54 : i32
    %slice3A_56 = vector.extract_strided_slice %or3A {offsets = [13], sizes = [1], strides = [1]} : vector<16xi32> to vector<1xi32>
    %squeeze3A_57 = vector.extract %slice3A_56[0] : i32 from vector<1xi32>
    %or3A_58 = arith.ori %or3A_55, %squeeze3A_57 : i32
    %slice3A_59 = vector.extract_strided_slice %or3A {offsets = [14], sizes = [1], strides = [1]} : vector<16xi32> to vector<1xi32>
    %squeeze3A_60 = vector.extract %slice3A_59[0] : i32 from vector<1xi32>
    %or3A_61 = arith.ori %or3A_58, %squeeze3A_60 : i32
    %slice3A_62 = vector.extract_strided_slice %or3A {offsets = [15], sizes = [1], strides = [1]} : vector<16xi32> to vector<1xi32>
    %squeeze3A_63 = vector.extract %slice3A_62[0] : i32 from vector<1xi32>
    %or3A_64 = arith.ori %or3A_61, %squeeze3A_63 : i32
    %eq3A = arith.constant 0 : i32
    %eq3A_65 = arith.cmpi eq, %or3A_64, %eq3A : i32
    %broadcast_in_dim3A_66 = vector.broadcast %eq3A_65 : i1 to vector<16xi1>
    %max3A = arith.constant 0.000000e+00 : f32
    %max3A_67 = vector.broadcast %max3A : f32 to vector<16xf32>
    %max3A_68 = arith.maximumf %get3A_13, %max3A_67 : vector<16xf32>
    %select_n3A = arith.select %broadcast_in_dim3A_66, %get3A_13, %max3A_68 : vector<16xi1>, vector<16xf32>
    %max3A_69 = arith.constant 0.000000e+00 : f32
    %max3A_70 = vector.broadcast %max3A_69 : f32 to vector<16xf32>
    %max3A_71 = arith.maximumf %get3A_15, %max3A_70 : vector<16xf32>
    %select_n3A_72 = arith.select %broadcast_in_dim3A_66, %get3A_15, %max3A_71 : vector<16xi1>, vector<16xf32>
    %shift_right_arithmetic3A = arith.constant 7 : i32
    %shift_right_arithmetic3A_73 = vector.broadcast %shift_right_arithmetic3A : i32 to vector<16xi32>
    %shift_right_arithmetic3A_74 = arith.shrsi %get3A_9, %shift_right_arithmetic3A_73 : vector<16xi32>
    %shift_right_arithmetic3A_75 = arith.constant 7 : i32
    %shift_right_arithmetic3A_76 = vector.broadcast %shift_right_arithmetic3A_75 : i32 to vector<16xi32>
    %shift_right_arithmetic3A_77 = arith.shrsi %get3A_11, %shift_right_arithmetic3A_76 : vector<16xi32>
    %shift_right_arithmetic3A_78 = arith.constant 3 : i32
    %shift_right_arithmetic3A_79 = arith.shrsi %add3A, %shift_right_arithmetic3A_78 : i32
    %and3A = arith.constant 7 : i32
    %and3A_80 = arith.andi %add3A, %and3A : i32
    %and3A_81 = arith.constant 127 : i32
    %and3A_82 = vector.broadcast %and3A_81 : i32 to vector<16xi32>
    %and3A_83 = arith.andi %get3A_9, %and3A_82 : vector<16xi32>
    %lt3A = arith.constant 120 : i32
    %lt3A_84 = vector.broadcast %lt3A : i32 to vector<16xi32>
    %lt3A_85 = arith.cmpi slt, %shift_right_arithmetic3A_74, %lt3A_84 : vector<16xi32>
    tpu.vector_store_idx %arg7[%shift_right_arithmetic3A_74, %and3A_83], %select_n3A masked %lt3A_85 : memref<239x128xf32, #tpu.memory_space<vmem>>[vector<16xi32>, vector<16xi32>], vector<16xf32>, vector<16xi1>
    %and3A_86 = arith.constant 127 : i32
    %and3A_87 = vector.broadcast %and3A_86 : i32 to vector<16xi32>
    %and3A_88 = arith.andi %get3A_11, %and3A_87 : vector<16xi32>
    %lt3A_89 = arith.constant 120 : i32
    %lt3A_90 = vector.broadcast %lt3A_89 : i32 to vector<16xi32>
    %lt3A_91 = arith.cmpi slt, %shift_right_arithmetic3A_77, %lt3A_90 : vector<16xi32>
    tpu.vector_store_idx %arg7[%shift_right_arithmetic3A_77, %and3A_88], %select_n3A_72 masked %lt3A_91 : memref<239x128xf32, #tpu.memory_space<vmem>>[vector<16xi32>, vector<16xi32>], vector<16xf32>, vector<16xi1>
    %dma_start3A_92 = arith.constant 0 : i32
    %dma_start3A_93 = arith.constant 0 : i32
    %dma_start3A_94 = tpu.memref_slice %arg7[%dma_start3A_92, %dma_start3A_93] : memref<239x128xf32, #tpu.memory_space<vmem>> -> memref<120x128xf32, #tpu.memory_space<vmem>>
    %dma_start3A_95 = arith.constant 0 : i32
    %dma_start3A_96 = arith.constant 0 : i32
    %dma_start3A_97 = tpu.memref_slice %arg4[%shift_right_arithmetic3A_79, %dma_start3A_95, %and3A_80, %dma_start3A_96] : memref<4x239x8x128xf32, #tpu.memory_space<hbm>> -> memref<1x120x1x128xf32, #tpu.memory_space<hbm>>
    %dma_start3A_98 = tpu.memref_squeeze %dma_start3A_97 : memref<1x120x1x128xf32, #tpu.memory_space<hbm>> -> memref<120x128xf32, #tpu.memory_space<hbm>>
    %dma_start3A_99 = arith.constant 0 : i32
    %dma_start3A_100 = arith.constant 0 : i32
    %dma_start3A_101 = tpu.memref_slice %arg4[%shift_right_arithmetic3A_79, %dma_start3A_99, %and3A_80, %dma_start3A_100] : memref<4x239x8x128xf32, #tpu.memory_space<hbm>> -> memref<1x120x1x128xf32, #tpu.memory_space<hbm>>
    %dma_start3A_102 = tpu.memref_squeeze %dma_start3A_101 : memref<1x120x1x128xf32, #tpu.memory_space<hbm>> -> memref<120x128xf32, #tpu.memory_space<hbm>>
    %dma_start3A_103 = arith.constant 0 : i32
    %dma_start3A_104 = arith.constant 0 : i32
    %dma_start3A_105 = tpu.memref_slice %arg7[%dma_start3A_103, %dma_start3A_104] : memref<239x128xf32, #tpu.memory_space<vmem>> -> memref<120x128xf32, #tpu.memory_space<vmem>>
    tpu.enqueue_dma source(%dma_start3A_105 : memref<120x128xf32, #tpu.memory_space<vmem>>) target(%dma_start3A_102 : memref<120x128xf32, #tpu.memory_space<hbm>>) target_semaphore(%arg8 : memref<!tpu.dma_semaphore, #tpu.memory_space<semaphore_mem>>)
    %scan3A_106 = arith.constant 0 : i32
    %scan3A_107 = arith.constant 120 : i32
    %scan3A_108 = arith.constant 118 : i32
    %scan3A_109 = arith.addi %scan3A_107, %scan3A_108 : i32
    %scan3A_110 = arith.constant 2 : i32
    scf.for %scan3A_162 = %scan3A_107 to %scan3A_109 step %scan3A_110  : i32 {
      %swap3A_163 = arith.index_cast %scan3A_162 : i32 to index
      %swap3A_164 = arith.constant 0 : index
      %swap3A_165 = tpu.vector_load %arg7[%swap3A_163, %swap3A_164] {strides = array<i32>} : memref<239x128xf32, #tpu.memory_space<vmem>>, vector<16xf32>,
      tpu.vector_store %arg7[%swap3A_163, %swap3A_164], %broadcast_in_dim3A_2 {strides = array<i32>} : memref<239x128xf32, #tpu.memory_space<vmem>>, vector<16xf32>,
      %swap3A_166 = arith.index_cast %scan3A_162 : i32 to index
      %swap3A_167 = arith.constant 16 : index
      %swap3A_168 = tpu.vector_load %arg7[%swap3A_166, %swap3A_167] {strides = array<i32>} : memref<239x128xf32, #tpu.memory_space<vmem>>, vector<16xf32>,
      tpu.vector_store %arg7[%swap3A_166, %swap3A_167], %broadcast_in_dim3A_2 {strides = array<i32>} : memref<239x128xf32, #tpu.memory_space<vmem>>, vector<16xf32>,
      %swap3A_169 = arith.index_cast %scan3A_162 : i32 to index
      %swap3A_170 = arith.constant 32 : index
      %swap3A_171 = tpu.vector_load %arg7[%swap3A_169, %swap3A_170] {strides = array<i32>} : memref<239x128xf32, #tpu.memory_space<vmem>>, vector<16xf32>,
      tpu.vector_store %arg7[%swap3A_169, %swap3A_170], %broadcast_in_dim3A_2 {strides = array<i32>} : memref<239x128xf32, #tpu.memory_space<vmem>>, vector<16xf32>,
      %swap3A_172 = arith.index_cast %scan3A_162 : i32 to index
      %swap3A_173 = arith.constant 48 : index
      %swap3A_174 = tpu.vector_load %arg7[%swap3A_172, %swap3A_173] {strides = array<i32>} : memref<239x128xf32, #tpu.memory_space<vmem>>, vector<16xf32>,
      tpu.vector_store %arg7[%swap3A_172, %swap3A_173], %broadcast_in_dim3A_2 {strides = array<i32>} : memref<239x128xf32, #tpu.memory_space<vmem>>, vector<16xf32>,
      %swap3A_175 = arith.index_cast %scan3A_162 : i32 to index
      %swap3A_176 = arith.constant 64 : index
      %swap3A_177 = tpu.vector_load %arg7[%swap3A_175, %swap3A_176] {strides = array<i32>} : memref<239x128xf32, #tpu.memory_space<vmem>>, vector<16xf32>,
      tpu.vector_store %arg7[%swap3A_175, %swap3A_176], %broadcast_in_dim3A_2 {strides = array<i32>} : memref<239x128xf32, #tpu.memory_space<vmem>>, vector<16xf32>,
      %swap3A_178 = arith.index_cast %scan3A_162 : i32 to index
      %swap3A_179 = arith.constant 80 : index
      %swap3A_180 = tpu.vector_load %arg7[%swap3A_178, %swap3A_179] {strides = array<i32>} : memref<239x128xf32, #tpu.memory_space<vmem>>, vector<16xf32>,
      tpu.vector_store %arg7[%swap3A_178, %swap3A_179], %broadcast_in_dim3A_2 {strides = array<i32>} : memref<239x128xf32, #tpu.memory_space<vmem>>, vector<16xf32>,
      %swap3A_181 = arith.index_cast %scan3A_162 : i32 to index
      %swap3A_182 = arith.constant 96 : index
      %swap3A_183 = tpu.vector_load %arg7[%swap3A_181, %swap3A_182] {strides = array<i32>} : memref<239x128xf32, #tpu.memory_space<vmem>>, vector<16xf32>,
      tpu.vector_store %arg7[%swap3A_181, %swap3A_182], %broadcast_in_dim3A_2 {strides = array<i32>} : memref<239x128xf32, #tpu.memory_space<vmem>>, vector<16xf32>,
      %swap3A_184 = arith.index_cast %scan3A_162 : i32 to index
      %swap3A_185 = arith.constant 112 : index
      %swap3A_186 = tpu.vector_load %arg7[%swap3A_184, %swap3A_185] {strides = array<i32>} : memref<239x128xf32, #tpu.memory_space<vmem>>, vector<16xf32>,
      tpu.vector_store %arg7[%swap3A_184, %swap3A_185], %broadcast_in_dim3A_2 {strides = array<i32>} : memref<239x128xf32, #tpu.memory_space<vmem>>, vector<16xf32>,
      %scan3A_187 = arith.constant 1 : i32
      %scan3A_188 = arith.addi %scan3A_162, %scan3A_187 : i32
      %swap3A_189 = arith.index_cast %scan3A_188 : i32 to index
      %swap3A_190 = arith.constant 0 : index
      %swap3A_191 = tpu.vector_load %arg7[%swap3A_189, %swap3A_190] {strides = array<i32>} : memref<239x128xf32, #tpu.memory_space<vmem>>, vector<16xf32>,
      tpu.vector_store %arg7[%swap3A_189, %swap3A_190], %broadcast_in_dim3A_2 {strides = array<i32>} : memref<239x128xf32, #tpu.memory_space<vmem>>, vector<16xf32>,
      %swap3A_192 = arith.index_cast %scan3A_188 : i32 to index
      %swap3A_193 = arith.constant 16 : index
      %swap3A_194 = tpu.vector_load %arg7[%swap3A_192, %swap3A_193] {strides = array<i32>} : memref<239x128xf32, #tpu.memory_space<vmem>>, vector<16xf32>,
      tpu.vector_store %arg7[%swap3A_192, %swap3A_193], %broadcast_in_dim3A_2 {strides = array<i32>} : memref<239x128xf32, #tpu.memory_space<vmem>>, vector<16xf32>,
      %swap3A_195 = arith.index_cast %scan3A_188 : i32 to index
      %swap3A_196 = arith.constant 32 : index
      %swap3A_197 = tpu.vector_load %arg7[%swap3A_195, %swap3A_196] {strides = array<i32>} : memref<239x128xf32, #tpu.memory_space<vmem>>, vector<16xf32>,
      tpu.vector_store %arg7[%swap3A_195, %swap3A_196], %broadcast_in_dim3A_2 {strides = array<i32>} : memref<239x128xf32, #tpu.memory_space<vmem>>, vector<16xf32>,
      %swap3A_198 = arith.index_cast %scan3A_188 : i32 to index
      %swap3A_199 = arith.constant 48 : index
      %swap3A_200 = tpu.vector_load %arg7[%swap3A_198, %swap3A_199] {strides = array<i32>} : memref<239x128xf32, #tpu.memory_space<vmem>>, vector<16xf32>,
      tpu.vector_store %arg7[%swap3A_198, %swap3A_199], %broadcast_in_dim3A_2 {strides = array<i32>} : memref<239x128xf32, #tpu.memory_space<vmem>>, vector<16xf32>,
      %swap3A_201 = arith.index_cast %scan3A_188 : i32 to index
      %swap3A_202 = arith.constant 64 : index
      %swap3A_203 = tpu.vector_load %arg7[%swap3A_201, %swap3A_202] {strides = array<i32>} : memref<239x128xf32, #tpu.memory_space<vmem>>, vector<16xf32>,
      tpu.vector_store %arg7[%swap3A_201, %swap3A_202], %broadcast_in_dim3A_2 {strides = array<i32>} : memref<239x128xf32, #tpu.memory_space<vmem>>, vector<16xf32>,
      %swap3A_204 = arith.index_cast %scan3A_188 : i32 to index
      %swap3A_205 = arith.constant 80 : index
      %swap3A_206 = tpu.vector_load %arg7[%swap3A_204, %swap3A_205] {strides = array<i32>} : memref<239x128xf32, #tpu.memory_space<vmem>>, vector<16xf32>,
      tpu.vector_store %arg7[%swap3A_204, %swap3A_205], %broadcast_in_dim3A_2 {strides = array<i32>} : memref<239x128xf32, #tpu.memory_space<vmem>>, vector<16xf32>,
      %swap3A_207 = arith.index_cast %scan3A_188 : i32 to index
      %swap3A_208 = arith.constant 96 : index
      %swap3A_209 = tpu.vector_load %arg7[%swap3A_207, %swap3A_208] {strides = array<i32>} : memref<239x128xf32, #tpu.memory_space<vmem>>, vector<16xf32>,
      tpu.vector_store %arg7[%swap3A_207, %swap3A_208], %broadcast_in_dim3A_2 {strides = array<i32>} : memref<239x128xf32, #tpu.memory_space<vmem>>, vector<16xf32>,
      %swap3A_210 = arith.index_cast %scan3A_188 : i32 to index
      %swap3A_211 = arith.constant 112 : index
      %swap3A_212 = tpu.vector_load %arg7[%swap3A_210, %swap3A_211] {strides = array<i32>} : memref<239x128xf32, #tpu.memory_space<vmem>>, vector<16xf32>,
      tpu.vector_store %arg7[%swap3A_210, %swap3A_211], %broadcast_in_dim3A_2 {strides = array<i32>} : memref<239x128xf32, #tpu.memory_space<vmem>>, vector<16xf32>,
    }
    %scan3A_111 = arith.constant 118 : i32
    %scan3A_112 = arith.addi %scan3A_107, %scan3A_111 : i32
    %swap3A = arith.index_cast %scan3A_112 : i32 to index
    %swap3A_113 = arith.constant 0 : index
    %swap3A_114 = tpu.vector_load %arg7[%swap3A, %swap3A_113] {strides = array<i32>} : memref<239x128xf32, #tpu.memory_space<vmem>>, vector<16xf32>,
    tpu.vector_store %arg7[%swap3A, %swap3A_113], %broadcast_in_dim3A_2 {strides = array<i32>} : memref<239x128xf32, #tpu.memory_space<vmem>>, vector<16xf32>,
    %swap3A_115 = arith.index_cast %scan3A_112 : i32 to index
    %swap3A_116 = arith.constant 16 : index
    %swap3A_117 = tpu.vector_load %arg7[%swap3A_115, %swap3A_116] {strides = array<i32>} : memref<239x128xf32, #tpu.memory_space<vmem>>, vector<16xf32>,
    tpu.vector_store %arg7[%swap3A_115, %swap3A_116], %broadcast_in_dim3A_2 {strides = array<i32>} : memref<239x128xf32, #tpu.memory_space<vmem>>, vector<16xf32>,
    %swap3A_118 = arith.index_cast %scan3A_112 : i32 to index
    %swap3A_119 = arith.constant 32 : index
    %swap3A_120 = tpu.vector_load %arg7[%swap3A_118, %swap3A_119] {strides = array<i32>} : memref<239x128xf32, #tpu.memory_space<vmem>>, vector<16xf32>,
    tpu.vector_store %arg7[%swap3A_118, %swap3A_119], %broadcast_in_dim3A_2 {strides = array<i32>} : memref<239x128xf32, #tpu.memory_space<vmem>>, vector<16xf32>,
    %swap3A_121 = arith.index_cast %scan3A_112 : i32 to index
    %swap3A_122 = arith.constant 48 : index
    %swap3A_123 = tpu.vector_load %arg7[%swap3A_121, %swap3A_122] {strides = array<i32>} : memref<239x128xf32, #tpu.memory_space<vmem>>, vector<16xf32>,
    tpu.vector_store %arg7[%swap3A_121, %swap3A_122], %broadcast_in_dim3A_2 {strides = array<i32>} : memref<239x128xf32, #tpu.memory_space<vmem>>, vector<16xf32>,
    %swap3A_124 = arith.index_cast %scan3A_112 : i32 to index
    %swap3A_125 = arith.constant 64 : index
    %swap3A_126 = tpu.vector_load %arg7[%swap3A_124, %swap3A_125] {strides = array<i32>} : memref<239x128xf32, #tpu.memory_space<vmem>>, vector<16xf32>,
    tpu.vector_store %arg7[%swap3A_124, %swap3A_125], %broadcast_in_dim3A_2 {strides = array<i32>} : memref<239x128xf32, #tpu.memory_space<vmem>>, vector<16xf32>,
    %swap3A_127 = arith.index_cast %scan3A_112 : i32 to index
    %swap3A_128 = arith.constant 80 : index
    %swap3A_129 = tpu.vector_load %arg7[%swap3A_127, %swap3A_128] {strides = array<i32>} : memref<239x128xf32, #tpu.memory_space<vmem>>, vector<16xf32>,
    tpu.vector_store %arg7[%swap3A_127, %swap3A_128], %broadcast_in_dim3A_2 {strides = array<i32>} : memref<239x128xf32, #tpu.memory_space<vmem>>, vector<16xf32>,
    %swap3A_130 = arith.index_cast %scan3A_112 : i32 to index
    %swap3A_131 = arith.constant 96 : index
    %swap3A_132 = tpu.vector_load %arg7[%swap3A_130, %swap3A_131] {strides = array<i32>} : memref<239x128xf32, #tpu.memory_space<vmem>>, vector<16xf32>,
    tpu.vector_store %arg7[%swap3A_130, %swap3A_131], %broadcast_in_dim3A_2 {strides = array<i32>} : memref<239x128xf32, #tpu.memory_space<vmem>>, vector<16xf32>,
    %swap3A_133 = arith.index_cast %scan3A_112 : i32 to index
    %swap3A_134 = arith.constant 112 : index
    %swap3A_135 = tpu.vector_load %arg7[%swap3A_133, %swap3A_134] {strides = array<i32>} : memref<239x128xf32, #tpu.memory_space<vmem>>, vector<16xf32>,
    tpu.vector_store %arg7[%swap3A_133, %swap3A_134], %broadcast_in_dim3A_2 {strides = array<i32>} : memref<239x128xf32, #tpu.memory_space<vmem>>, vector<16xf32>,
    %scan3A_136 = arith.constant 119 : i32
    %and3A_137 = arith.constant 127 : i32
    %and3A_138 = vector.broadcast %and3A_137 : i32 to vector<16xi32>
    %and3A_139 = arith.andi %get3A_9, %and3A_138 : vector<16xi32>
    %ge3A = arith.constant 120 : i32
    %ge3A_140 = vector.broadcast %ge3A : i32 to vector<16xi32>
    %ge3A_141 = arith.cmpi sge, %shift_right_arithmetic3A_74, %ge3A_140 : vector<16xi32>
    tpu.vector_store_idx %arg7[%shift_right_arithmetic3A_74, %and3A_139], %select_n3A masked %ge3A_141 : memref<239x128xf32, #tpu.memory_space<vmem>>[vector<16xi32>, vector<16xi32>], vector<16xf32>, vector<16xi1>
    %and3A_142 = arith.constant 127 : i32
    %and3A_143 = vector.broadcast %and3A_142 : i32 to vector<16xi32>
    %and3A_144 = arith.andi %get3A_11, %and3A_143 : vector<16xi32>
    %ge3A_145 = arith.constant 120 : i32
    %ge3A_146 = vector.broadcast %ge3A_145 : i32 to vector<16xi32>
    %ge3A_147 = arith.cmpi sge, %shift_right_arithmetic3A_77, %ge3A_146 : vector<16xi32>
    tpu.vector_store_idx %arg7[%shift_right_arithmetic3A_77, %and3A_144], %select_n3A_72 masked %ge3A_147 : memref<239x128xf32, #tpu.memory_space<vmem>>[vector<16xi32>, vector<16xi32>], vector<16xf32>, vector<16xi1>
    "tpu.region"() ({
      %run_scoped3A = tpu.sem_alloc : memref<!tpu.dma_semaphore, #tpu.memory_space<semaphore_mem>>
      %dma_start3A_162 = arith.constant 120 : i32
      %dma_start3A_163 = arith.constant 0 : i32
      %dma_start3A_164 = tpu.memref_slice %arg7[%dma_start3A_162, %dma_start3A_163] : memref<239x128xf32, #tpu.memory_space<vmem>> -> memref<119x128xf32, #tpu.memory_space<vmem>>
      %dma_start3A_165 = arith.constant 120 : i32
      %dma_start3A_166 = arith.constant 0 : i32
      %dma_start3A_167 = tpu.memref_slice %arg4[%shift_right_arithmetic3A_79, %dma_start3A_165, %and3A_80, %dma_start3A_166] : memref<4x239x8x128xf32, #tpu.memory_space<hbm>> -> memref<1x119x1x128xf32, #tpu.memory_space<hbm>>
      %dma_start3A_168 = tpu.memref_squeeze %dma_start3A_167 : memref<1x119x1x128xf32, #tpu.memory_space<hbm>> -> memref<119x128xf32, #tpu.memory_space<hbm>>
      %dma_start3A_169 = arith.constant 120 : i32
      %dma_start3A_170 = arith.constant 0 : i32
      %dma_start3A_171 = tpu.memref_slice %arg4[%shift_right_arithmetic3A_79, %dma_start3A_169, %and3A_80, %dma_start3A_170] : memref<4x239x8x128xf32, #tpu.memory_space<hbm>> -> memref<1x119x1x128xf32, #tpu.memory_space<hbm>>
      %dma_start3A_172 = tpu.memref_squeeze %dma_start3A_171 : memref<1x119x1x128xf32, #tpu.memory_space<hbm>> -> memref<119x128xf32, #tpu.memory_space<hbm>>
      %dma_start3A_173 = arith.constant 120 : i32
      %dma_start3A_174 = arith.constant 0 : i32
      %dma_start3A_175 = tpu.memref_slice %arg7[%dma_start3A_173, %dma_start3A_174] : memref<239x128xf32, #tpu.memory_space<vmem>> -> memref<119x128xf32, #tpu.memory_space<vmem>>
      tpu.enqueue_dma source(%dma_start3A_175 : memref<119x128xf32, #tpu.memory_space<vmem>>) target(%dma_start3A_172 : memref<119x128xf32, #tpu.memory_space<hbm>>) target_semaphore(%run_scoped3A : memref<!tpu.dma_semaphore, #tpu.memory_space<semaphore_mem>>)
      %dma_wait3A_176 = arith.constant 120 : i32
      %dma_wait3A_177 = arith.constant 0 : i32
      %dma_wait3A_178 = tpu.memref_slice %arg7[%dma_wait3A_176, %dma_wait3A_177] : memref<239x128xf32, #tpu.memory_space<vmem>> -> memref<119x128xf32, #tpu.memory_space<vmem>>
      %dma_wait3A_179 = arith.constant 120 : i32
      %dma_wait3A_180 = arith.constant 0 : i32
      %dma_wait3A_181 = tpu.memref_slice %arg4[%shift_right_arithmetic3A_79, %dma_wait3A_179, %and3A_80, %dma_wait3A_180] : memref<4x239x8x128xf32, #tpu.memory_space<hbm>> -> memref<1x119x1x128xf32, #tpu.memory_space<hbm>>
      %dma_wait3A_182 = tpu.memref_squeeze %dma_wait3A_181 : memref<1x119x1x128xf32, #tpu.memory_space<hbm>> -> memref<119x128xf32, #tpu.memory_space<hbm>>
      %dma_wait3A_183 = arith.constant 120 : i32
      %dma_wait3A_184 = arith.constant 0 : i32
      %dma_wait3A_185 = tpu.memref_slice %arg4[%shift_right_arithmetic3A_79, %dma_wait3A_183, %and3A_80, %dma_wait3A_184] : memref<4x239x8x128xf32, #tpu.memory_space<hbm>> -> memref<1x119x1x128xf32, #tpu.memory_space<hbm>>
      %dma_wait3A_186 = tpu.memref_squeeze %dma_wait3A_185 : memref<1x119x1x128xf32, #tpu.memory_space<hbm>> -> memref<119x128xf32, #tpu.memory_space<hbm>>
      %dma_wait3A_187 = arith.constant 120 : i32
      %dma_wait3A_188 = arith.constant 0 : i32
      %dma_wait3A_189 = tpu.memref_slice %arg7[%dma_wait3A_187, %dma_wait3A_188] : memref<239x128xf32, #tpu.memory_space<vmem>> -> memref<119x128xf32, #tpu.memory_space<vmem>>
      tpu.wait_dma2 semaphore(%run_scoped3A : memref<!tpu.dma_semaphore, #tpu.memory_space<semaphore_mem>>) src(%dma_wait3A_189 : memref<119x128xf32, #tpu.memory_space<vmem>>) dst(%dma_wait3A_186 : memref<119x128xf32, #tpu.memory_space<hbm>>)
      tpu.yield
    }) : () -> ()
    %dma_wait3A_148 = arith.constant 0 : i32
    %dma_wait3A_149 = arith.constant 0 : i32
    %dma_wait3A_150 = tpu.memref_slice %arg7[%dma_wait3A_148, %dma_wait3A_149] : memref<239x128xf32, #tpu.memory_space<vmem>> -> memref<120x128xf32, #tpu.memory_space<vmem>>
    %dma_wait3A_151 = arith.constant 0 : i32
    %dma_wait3A_152 = arith.constant 0 : i32
    %dma_wait3A_153 = tpu.memref_slice %arg4[%shift_right_arithmetic3A_79, %dma_wait3A_151, %and3A_80, %dma_wait3A_152] : memref<4x239x8x128xf32, #tpu.memory_space<hbm>> -> memref<1x120x1x128xf32, #tpu.memory_space<hbm>>
    %dma_wait3A_154 = tpu.memref_squeeze %dma_wait3A_153 : memref<1x120x1x128xf32, #tpu.memory_space<hbm>> -> memref<120x128xf32, #tpu.memory_space<hbm>>
    %dma_wait3A_155 = arith.constant 0 : i32
    %dma_wait3A_156 = arith.constant 0 : i32
    %dma_wait3A_157 = tpu.memref_slice %arg4[%shift_right_arithmetic3A_79, %dma_wait3A_155, %and3A_80, %dma_wait3A_156] : memref<4x239x8x128xf32, #tpu.memory_space<hbm>> -> memref<1x120x1x128xf32, #tpu.memory_space<hbm>>
    %dma_wait3A_158 = tpu.memref_squeeze %dma_wait3A_157 : memref<1x120x1x128xf32, #tpu.memory_space<hbm>> -> memref<120x128xf32, #tpu.memory_space<hbm>>
    %dma_wait3A_159 = arith.constant 0 : i32
    %dma_wait3A_160 = arith.constant 0 : i32
    %dma_wait3A_161 = tpu.memref_slice %arg7[%dma_wait3A_159, %dma_wait3A_160] : memref<239x128xf32, #tpu.memory_space<vmem>> -> memref<120x128xf32, #tpu.memory_space<vmem>>
    tpu.wait_dma2 semaphore(%arg8 : memref<!tpu.dma_semaphore, #tpu.memory_space<semaphore_mem>>) src(%dma_wait3A_161 : memref<120x128xf32, #tpu.memory_space<vmem>>) dst(%dma_wait3A_158 : memref<120x128xf32, #tpu.memory_space<hbm>>)
    return
  }
}

</mosaic_0001>

<sc_bundles>
// kernel: _encode.3.cloned.1.call-start
scs
__scs_entry_jumppad:
0x0: {  	(pc) =	sbr.rel $0x88, $3  }
0x1: {  	(tag) =	ssettag $0x0;
	lr =	simm.s32 $0x1  }
0x2: {  	[smem:$0x3F9F] =	sst lr;
	_ =	strace $0xD0000000  }
0x3: {  	_ = 	snop  }
0x4: {  	_ = 	snop  }
0x5: {  	_ = 	snop  }
0x6: {  	_ = 	snop  }
0x7: {  	_ = 	snop  }
__scs_overlays_trampoline_lowered:
0x8: {  	[smem:$0x3FAE] =	sst s0  }
0x9: {  	[smem:$0x3FAF] =	sst s1  }
0xa: {  	[smem:$0x3FB0] =	sst s2  }
0xb: {  	[smem:$0x3FB1] =	sst s3  }
0xc: {  	[smem:$0x3FB2] =	sst s4  }
0xd: {  	[smem:$0x3FB3] =	sst s5  }
0xe: {  	[smem:$0x3FB4] =	sst s6  }
0xf: {  	[smem:$0x3FB5] =	sst s7  }
0x10: {  	[smem:$0x3FB6] =	sst s8  }
0x11: {  	[smem:$0x3FB7] =	sst s9;
	s0 =	simm.s32 @!p0 $0x0  }
0x12: {  	s1 =	sld [smem:$0x3F9D];
	s0 =	simm.s32 @p0 $0x1  }
0x13: {  	[smem:$0x3FB8] =	sst s0;
	s0 =	simm.s32 @!p1 $0x0  }
0x14: {  	s2 =	sld [smem:$0x3F9C];
	s0 =	simm.s32 @p1 $0x1  }
0x15: {  	[smem:$0x3FB9] =	sst s0;
	s0 =	simm.s32 @!p2 $0x0  }
0x16: {  	s3 =	sld [smem:$0x3FDB];
	s0 =	simm.s32 @p2 $0x1  }
0x17: {  	s4 =	simm.s32 $0x1BF5;
	[smem:$0x3FBB] =	sst s0  }
0x18: {  	s0 =	sld [smem:$0x3F9E];
	_ =	swait.ge [sflag:s4], $0x0  }
0x19: {  	s7 =	sld [smem:$0x3F9F]  }
0x1a: {  	s8 =	sadd.s32 $0xFFFFE003, lr  }
0x1b: {  	s9 =	sadd.s32 $0xFFFFFEF7, lr;
	s5 =	simm.s32 $0xFFFFFFFF;
	p2 =	slt.u32 s8, $0xFFFFF086  }
0x1c: {  	p1 =	slt.u32 s9, $0xF7A;
	s5 =	simm.s32 @!p2 $0x0  }
0x1d: {  	s5 =	simm.s32 @p1 $0x1;
	p0 =	seq.s32 s7, s2  }
0x1e: {  	s7 =	smul.u32 @!p0 $0xF7A, s2;
	p2 =	seq.s32 @!p0 s5, $0x0  }
0x1f: {  	s9 =	smul.u32 $0xF7A, s1;
	s8 =	simm.s32 @!p0 $0x1BF5;
	p2 =	por !p2, p0  }
0x20: {  	[sflag:s8] =	ssyncset.s32 @!p0 $0xFFFFF086;
	s6 =	sadd.s32 @!p0 s3, s7;
	s7 =	simm.s32 @!p0 $0x108  }
0x21: {  	s3 =	sadd.s32 s3, s9;
	s6 =	sadd.s32 @!p0 $0x88, s6;
	s7 =	simm.s32 @p2 $0x1082  }
0x22: {  	[simem:s7], [sflag:s8] =	dma.local @!p0 [hbm:s6], $0xF7A  }
0x23: {  	s9 =	sor.u32 $0xD0000000, s2;
	s6 =	simm.s32 $0x108;
	_ =	swait.ge @!p0 [sflag:s8], $0x0  }
0x24: {  	s3 =	sadd.s32 $0x88, s3;
	s6 =	simm.s32 @!p1 $0x1082;
	[sflag:s4] =	ssyncset.s32 $0xFFFFF086  }
0x25: {  	[simem:s6], [sflag:s4] =	dma.local [hbm:s3], $0xF7A  }
0x26: {  	[smem:$0x3F9F] =	sst s1;
	(tag) =	ssettag s2;
	_ =	strace s9  }
0x27: {  	s1 =	sld [smem:$0x3FAF]  }
0x28: {  	s2 =	sld [smem:$0x3FB0]  }
0x29: {  	s4 =	sld [smem:$0x3FB2]  }
0x2a: {  	p0 =	seq.s32 s5, $0x0;
	s5 =	sld [smem:$0x3FB3]  }
0x2b: {  	s6 =	sld [smem:$0x3FB4]  }
0x2c: {  	s7 =	sld [smem:$0x3FB5]  }
0x2d: {  	s3 =	simm.s32 $0x108;
	s8 =	sld [smem:$0x3FB6]  }
0x2e: {  	s3 =	simm.s32 @!p0 $0x1082;
	s9 =	sld [smem:$0x3FB7]  }
0x2f: {  	lr =	sadd.s32 s0, s3;
	s0 =	sld [smem:$0x3FAE]  }
0x30: {  	s3 =	sld [smem:$0x3FB1]  }
0x31: {  	[smem:$0x3FBA] =	sst s10  }
0x32: {  	s10 =	sld [smem:$0x3FB8];
	_ =	sdelay $0x3  }
0x33: {  	p0 =	seq.s32 s10, $0x1;
	s10 =	sld [smem:$0x3FBA];
	_ =	sdelay $0x3  }
0x34: {  	[smem:$0x3FBA] =	sst s10  }
0x35: {  	s10 =	sld [smem:$0x3FB9];
	_ =	sdelay $0x3  }
0x36: {  	p1 =	seq.s32 s10, $0x1;
	s10 =	sld [smem:$0x3FBA];
	_ =	sdelay $0x3  }
0x37: {  	[smem:$0x3FBA] =	sst s10  }
0x38: {  	s10 =	sld [smem:$0x3FBB]  }
0x39: {  	_ = 	snop;
	(pc) =	sbr.ind lr, $3  }
0x3a: {  	_ = 	snop  }
0x3b: {  	_ = 	snop  }
0x3c: {  	p2 =	seq.s32 s10, $0x1;
	s10 =	sld [smem:$0x3FBA]  }
0x3d: {  	_ =	shalt  }
0x3e: {  	_ =	shalt  }
0x3f: {  	_ =	shalt  }
0x40: {  	_ =	shalt  }
0x41: {  	_ =	shalt  }
0x42: {  	_ =	shalt  }
0x43: {  	_ =	shalt  }
0x44: {  	_ =	shalt  }
0x45: {  	_ =	shalt  }
0x46: {  	_ =	shalt  }
0x47: {  	_ =	shalt  }
0x48: {  	_ =	shalt  }
0x49: {  	_ =	shalt  }
0x4a: {  	_ =	shalt  }
0x4b: {  	_ =	shalt  }
0x4c: {  	_ =	shalt  }
0x4d: {  	_ =	shalt  }
0x4e: {  	_ =	shalt  }
0x4f: {  	_ =	shalt  }
0x50: {  	_ =	shalt  }
0x51: {  	_ =	shalt  }
0x52: {  	_ =	shalt  }
0x53: {  	_ =	shalt  }
0x54: {  	_ =	shalt  }
0x55: {  	_ =	shalt  }
0x56: {  	_ =	shalt  }
0x57: {  	_ =	shalt  }
0x58: {  	_ =	shalt  }
0x59: {  	_ =	shalt  }
0x5a: {  	_ =	shalt  }
0x5b: {  	_ =	shalt  }
0x5c: {  	_ =	shalt  }
0x5d: {  	_ =	shalt  }
0x5e: {  	_ =	shalt  }
0x5f: {  	_ =	shalt  }
0x60: {  	_ =	shalt  }
0x61: {  	_ =	shalt  }
0x62: {  	_ =	shalt  }
0x63: {  	_ =	shalt  }
0x64: {  	_ =	shalt  }
0x65: {  	_ =	shalt  }
0x66: {  	_ =	shalt  }
0x67: {  	_ =	shalt  }
0x68: {  	_ =	shalt  }
0x69: {  	_ =	shalt  }
0x6a: {  	_ =	shalt  }
0x6b: {  	_ =	shalt  }
0x6c: {  	_ =	shalt  }
0x6d: {  	_ =	shalt  }
0x6e: {  	_ =	shalt  }
0x6f: {  	_ =	shalt  }
0x70: {  	_ =	shalt  }
0x71: {  	_ =	shalt  }
0x72: {  	_ =	shalt  }
0x73: {  	_ =	shalt  }
0x74: {  	_ =	shalt  }
0x75: {  	_ =	shalt  }
0x76: {  	_ =	shalt  }
0x77: {  	_ =	shalt  }
0x78: {  	_ =	shalt  }
0x79: {  	_ =	shalt  }
0x7a: {  	_ =	shalt  }
0x7b: {  	_ =	shalt  }
0x7c: {  	_ =	shalt  }
0x7d: {  	_ =	shalt  }
0x7e: {  	_ =	shalt  }
0x7f: {  	_ =	shalt  }
0x80: {  	_ =	shalt  }
0x81: {  	_ =	shalt  }
0x82: {  	_ =	shalt  }
0x83: {  	_ =	shalt  }
0x84: {  	_ =	shalt  }
0x85: {  	_ =	shalt  }
0x86: {  	_ =	shalt  }
0x87: {  	_ =	shalt  }
.Lfunc_end0:
.L_simem_size_0:
called_computation_lowered:
.L_overlay_start_0:
0x88: {  	s2 =	sld [smem:$0x3FD9]  }
0x89: {  	s3 =	sld [smem:$0x3FFE];
	_ =	sdelay $0x1  }
0x8a: {  	s1 =	srdreg.scid  }
0x8b: {  	s0 =	sand.u32 $0x1, s1  }
0x8c: {  	s17 =	sshll.u32 s0, $0xA;
	s2 =	sadd.s32 s3, s2  }
0x8d: {  	s2 =	sadd.s32 s2, s17  }
0x8e: {  	[smem:$0x3FC6] =	sst s2  }
0x8f: {  	_ = 	snop  }
0x90: {  	s2 =	sld [smem:$0x3FC8]  }
0x91: {  	s18 =	sld [smem:$0x3FD0];
	(tm) =	ssettm $0x1  }
0x92: {  	s4 =	sld [smem:$0x3FFB];
	_ =	sdelay $0x3  }
0x93: {  	_ =	strace s4  }
0x94: {  	s4 =	sld [smem:$0x3FFC];
	_ =	sdelay $0x3  }
0x95: {  	_ =	strace s4  }
0x96: {  	s4 =	sld [smem:$0x3FFD];
	_ =	sdelay $0x3  }
0x97: {  	_ =	strace s4  }
0x98: {  	_ =	strace $0x8FFFFFFF  }
0x99: {  	s19 =	sld [smem:$0x3FDB];
	_ =	sdelay $0x1  }
0x9a: {  	s5 =	simm.s32 $_scs_section_size  }
0x9b: {  	s6 =	simm.s32 $_size__tile_overlayer_lowered;
	s7 =	simm.s32 $_tile_overlayer_lowered  }
0x9c: {  	s22 =	simm.s32 $0x1BFF;
	s21 =	sshll.u32 s7, $0x1;
	s4 =	sadd.s32 s5, s19  }
0x9d: {  	s8 =	simm.s32 $0x0;
	s20 =	sshll.u32 s6, $0x1;
	s6 =	sadd.s32 s21, s4  }
0x9e: {  	[timem:s8], [sflag:s22] =	dma.local [hbm:s6], s20  }
0x9f: {  	_ =	swait.ge [sflag:s22], s20  }
0xa0: {  	s5 =	ssub.s32 $0x0, s20;
	[sflag:s22] =	ssyncset.done $0x0  }
0xa1: {  	[sflag:s22] =	ssyncadd.s32 s5;
	_ =	sdelay $0x1  }
0xa2: {  	s23 =	simm.s32 $0x1B8B  }
0xa3: {  	_ =	swait.ge [sflag:s23], $0x1  }
0xa4: {  	[sflag:s23] =	ssyncset.done $0x0  }
0xa5: {  	s25 =	simm.s32 $0x1B8E;
	s24 =	sld [smem:$0x3FFE];
	[sflag:s23] =	ssyncadd.s32 $0xFFFFFFFF  }
0xa6: {  	s26 =	simm.s32 $execute0_lowered;
	[smem:$0x3FD2] =	sst s25  }
0xa7: {  	s6 =	sshll.u32 s26, $0x1;
	_ =	strace $0x80000046;
	[dreg:$0x1] =	wrdreg $0xFFFFFFFF  }
0xa8: {  	s28 =	simm.s32 $_size_execute0_lowered;
	s4 =	sadd.s32 s4, s6;
	[dreg:$0x0] =	wrdreg $0x0  }
0xa9: {  	s6 =	sshll.u32 s28, $0x1;
	[dreg:$0x2] =	wrdreg s4  }
0xaa: {  	[dreg:$0x3] =	wrdreg s6  }
0xab: {  	[dreg:$0x4] =	wrdreg $0xC0  }
0xac: {  	_ =	task [dreg:s8], $0x5FFFF  }
0xad: {  	[dreg:$0x1] =	wrdreg $0xFFFFFFFF  }
0xae: {  	[dreg:$0x0] =	wrdreg $0x60  }
0xaf: {  	[dreg:$0x2] =	wrdreg s24  }
0xb0: {  	[dreg:$0x3] =	wrdreg s2  }
0xb1: {  	[dreg:$0x4] =	wrdreg s18  }
0xb2: {  	[dreg:$0x5] =	wrdreg $0x9  }
0xb3: {  	_ =	task.clear_ibuf [dreg:s8], $0x6FFFF;
	_ =	strace $0x90000046  }
0xb4: {  	s29 =	simm.s32 $0x9;
	_ =	strace $0x80000048  }
0xb5: {  	_ =	swait.ge [sflag:s29], $0x1  }
0xb6: {  	[sflag:s29] =	ssyncadd.s32 $0xFFFFFFFF  }
0xb7: {  	_ =	strace $0x90000048  }
0xb8: {  	_ =	sfence  }
0xb9: {  	s30 =	sld [smem:$0x0];
	_ =	sdelay $0x2  }
0xba: {  	s31 =	sshll.u32 s1, $0xD;
	s1 =	sshrl.u32 s1, $0x2  }
0xbb: {  	s3 =	sand.u32 $0x4000, s31;
	s1 =	sadd.s32 s1, s30  }
0xbc: {  	s0 =	sor.u32 s3, s0;
	s1 =	sshll.u32 s1, $0x11  }
0xbd: {  	s0 =	sor.u32 s1, s0  }
0xbe: {  	s0 =	sadd.s32 $0x8F2B, s0  }
0xbf: {  	[sflag:s0] =	ssyncadd.remote.s32 $0x1  }
0xc0: {  	_ =	sfence.sel $0xFFFF  }
0xc1: {  	[dreg:$0x0] =	wrdreg $0xFFFFFFFF;
	(pc) =	sbr.abs _section_cstart, $3  }
0xc2: {  	[dreg:$0x1] =	wrdreg $0xFFFFFFFF  }
0xc3: {  	_ =	task.clear_ibuf [dreg:s8], $0x2FFFF;
	_ =	strace $0x9FFFFFFF  }
0xc4: {  	(tm) =	ssettm $0x7FFFFFFF  }
0xc5: {  	_ =	shalt  }
tec
execute0_lowered:
.L_overlay_start_1:
0x0: {  	(tag) =	ssettag $0x1  }
0x1: {  	s4 =	rddreg [dreg:$0x0]  }
0x2: {  	s2 =	rddreg [dreg:$0x1];
	s1 =	srdreg.scid  }
0x3: {  	s0 =	stileid.u32;
	s5 =	rddreg [dreg:$0x2]  }
0x4: {  	s10 =	simm.s32 $0x1;
	s11 =	simm.s32 $0x40;
	s12 =	simm.s32 $0x80  }
0x5: {  	s13 =	simm.s32 $0x400;
	s14 =	simm.s32 $0x3C40;
	s15 =	simm.s32 $0x0  }
0x6: {  	s6 =	sand.u32 $0x1, s1;
	s3 =	sshll.u32 s0, $0x1;
	s1 =	rddreg [dreg:$0x3]  }
0x7: {  	s8 =	sshrl.u32 s0, $0x2;
	s7 =	sor.u32 s6, s3;
	s3 =	simm.s32 $0x0  }
0x8: {  	s8 =	smul.u32 $0x3BC00, s8;
	s6 =	ssub.s32 $0x2, s6;
	s9 =	sshll.u32 s7, $0x7  }
0x9: {  	[smem:$0x7FF] =	sst s3;
	s7 =	sshll.u32 s7, $0x2;
	s9 =	sand.u32 $0x380, s9  }
0xa: {  	s30 =	sshrl.u32 s6, $0x1;
	_ =	strace $0x80000047;
	s8 =	sor.u32 s8, s9  }
0xb: {  	s7 =	sadd.s32 s7, s4;
	s31 =	ssub.s32 s6, s30;
	s8 =	sshrl.u32 s8, $0x3  }
0xc: {  	s9 =	simm.s32 $0x20;
	s4 =	sadd.s32 s5, s8;
	s5 =	sadd.s32 $0x400, s7  }
0xd: {  	v0 =	vimm.f32 $0.0e+00;
	s7 =	smax.u32 s31, $0x1;
	s8 =	simm.s32 $0x2;
	s6 =	sadd.s32 $0x3C00, s4  }
.LBB2_1:
0xe: {  	[tilespmem:s3], [sflag:$0x2] =	stream.linear.gather [hbm4b:s5+s3], $0x20, $0x38;
	[tilespmem:$0x77C0] =	vst v63  }
0xf: {  	_ =	swait.ge [sflag:s8], $0x20  }
0x10: {  	[sflag:s8] =	ssyncset.done $0x0  }
0x11: {  	s16 =	simm.s32 $0xC0;
	[sflag:s8] =	ssyncadd.s32 $0xFFFFFFE0  }
0x12: {  	[tilespmem:s9], [sflag:$0x1] =	stream.indirect.gather [hbm4b:s2+s9], $0x1, s3, s9, $0xb8;
	[tilespmem:$0x77C0] =	vst v63  }
0x13: {  	[tilespmem:s16+$0xFFFFFF80] =	vst v0  }
0x14: {  	[tilespmem:s16+$0x70] =	vst v0  }
0x15: {  	[tilespmem:s16+$0x60] =	vst v0  }
0x16: {  	[tilespmem:s16+$0x50] =	vst v0  }
0x17: {  	[tilespmem:s16+$0x40] =	vst v0  }
0x18: {  	[tilespmem:s16+$0x30] =	vst v0  }
0x19: {  	[tilespmem:s16+$0x20] =	vst v0  }
0x1a: {  	[tilespmem:s16+$0x10] =	vst v0  }
0x1b: {  	[tilespmem:s16+$0x0] =	vst v0  }
0x1c: {  	[tilespmem:s16+$0xFFFFFFF0] =	vst v0  }
0x1d: {  	[tilespmem:s16+$0xFFFFFFE0] =	vst v0  }
0x1e: {  	[tilespmem:s16+$0xFFFFFFD0] =	vst v0  }
0x1f: {  	[tilespmem:s16+$0xFFFFFFC0] =	vst v0  }
0x20: {  	[tilespmem:s16+$0xFFFFFFB0] =	vst v0  }
0x21: {  	s17 =	simm.s32 $0x0;
	[tilespmem:s16+$0xFFFFFFA0] =	vst v0  }
.LBB2_2:
0x22: {  	s17 =	sadd.s32 $0x2, s17;
	[tilespmem:s16+$0xFFFFFF90] =	vst v0;
	s16 =	sadd.s32 $0x100, s16  }
0x23: {  	[tilespmem:s16+$0xFFFFFF80] =	vst v0;
	p0 =	slt.u32 s17, $0x76  }
0x24: {  	[tilespmem:s16+$0x70] =	vst v0  }
0x25: {  	[tilespmem:s16+$0x60] =	vst v0  }
0x26: {  	[tilespmem:s16+$0x50] =	vst v0  }
0x27: {  	[tilespmem:s16+$0x40] =	vst v0  }
0x28: {  	[tilespmem:s16+$0x30] =	vst v0  }
0x29: {  	[tilespmem:s16+$0x20] =	vst v0  }
0x2a: {  	[tilespmem:s16+$0x10] =	vst v0  }
0x2b: {  	[tilespmem:s16+$0x0] =	vst v0  }
0x2c: {  	[tilespmem:s16+$0xFFFFFFF0] =	vst v0  }
.Ltmp0:
0x2d: {  	[tilespmem:s16+$0xFFFFFFE0] =	vst v0;
	(pc) =	sbr.rel @p0 .LBB2_2-.Ltmp0, $4  }
0x2e: {  	[tilespmem:s16+$0xFFFFFFD0] =	vst v0  }
0x2f: {  	[tilespmem:s16+$0xFFFFFFC0] =	vst v0  }
0x30: {  	[tilespmem:s16+$0xFFFFFFB0] =	vst v0  }
0x31: {  	[tilespmem:s16+$0xFFFFFFA0] =	vst v0  }
0x32: {  	[tilespmem:s16+$0xFFFFFF90] =	vst v0  }
0x33: {  	_ =	swait.ge [sflag:s10], $0x20  }
0x34: {  	[sflag:s10] =	ssyncset.done $0x0  }
0x35: {  	[sflag:s10] =	ssyncadd.s32 $0xFFFFFFE0  }
0x36: {  	v1 =	vld [tilespmem:$0x0];
	_ =	sdelay $0x1  }
0x37: {  	v2 =	vld [tilespmem:$0x10];
	_ =	sdelay $0x2  }
0x38: {  	v3 =	vbroadcast v1, $0x0;
	_ =	sdelay $0x1  }
0x39: {  	v4 =	vxor.u32 v1, v3;
	v3 =	vxor.u32 v3, v2  }
0x3a: {  	v3 =	vor.u32 v3, v4  }
0x3b: {  	(v2sf) =	vpush v3, $0x0  }
0x3c: {  	(v2sf) =	vpush v3, $0x1  }
0x3d: {  	(v2sf) =	vpush v3, $0x2  }
0x3e: {  	(v2sf) =	vpush v3, $0x3  }
0x3f: {  	(v2sf) =	vpush v3, $0x4  }
0x40: {  	(v2sf) =	vpush v3, $0x5  }
0x41: {  	(v2sf) =	vpush v3, $0x6  }
0x42: {  	(v2sf) =	vpush v3, $0x7  }
0x43: {  	(v2sf) =	vpush v3, $0x8  }
0x44: {  	(v2sf) =	vpush v3, $0x9  }
0x45: {  	(v2sf) =	vpush v3, $0xA  }
0x46: {  	(v2sf) =	vpush v3, $0xB  }
0x47: {  	(v2sf) =	vpush v3, $0xC  }
0x48: {  	(v2sf) =	vpush v3, $0xD  }
0x49: {  	(v2sf) =	vpush v3, $0xE  }
0x4a: {  	s30 =	spop (v2sf);
	(v2sf) =	vpush v3, $0xF  }
0x4b: {  	s17 =	spop (v2sf)  }
0x4c: {  	s16 =	sor.u32 s17, s30;
	s31 =	spop (v2sf)  }
0x4d: {  	s16 =	sor.u32 s31, s16;
	s18 =	spop (v2sf)  }
0x4e: {  	s16 =	sor.u32 s18, s16;
	s19 =	spop (v2sf)  }
0x4f: {  	s16 =	sor.u32 s19, s16;
	s20 =	spop (v2sf)  }
0x50: {  	s16 =	sor.u32 s20, s16;
	s21 =	spop (v2sf)  }
0x51: {  	s16 =	sor.u32 s21, s16;
	s22 =	spop (v2sf)  }
0x52: {  	s16 =	sor.u32 s22, s16;
	s23 =	spop (v2sf)  }
0x53: {  	s16 =	sor.u32 s23, s16;
	s24 =	spop (v2sf)  }
0x54: {  	s16 =	sor.u32 s24, s16;
	s25 =	spop (v2sf)  }
0x55: {  	s16 =	sor.u32 s25, s16;
	s26 =	spop (v2sf)  }
0x56: {  	v5 =	vld [tilespmem:$0x20];
	v3 =	vshra.s32 v1, $0x7;
	s16 =	sor.u32 s26, s16;
	s28 =	spop (v2sf)  }
0x57: {  	v6 =	vld [tilespmem:$0x30];
	v4 =	vshra.s32 v2, $0x7;
	vm0 =	vlt.s32 v3, $0x78;
	s16 =	sor.u32 s28, s16;
	s29 =	spop (v2sf)  }
0x58: {  	vm1 =	vlt.s32 v4, $0x78;
	s16 =	sor.u32 s29, s16;
	s30 =	spop (v2sf)  }
0x59: {  	s16 =	sor.u32 s30, s16;
	s31 =	spop (v2sf)  }
0x5a: {  	s16 =	sor.u32 s31, s16  }
0x5b: {  	v7 =	vmax.f32 v5, $0.0e+00;
	p0 =	seq.s32 s16, $0x0  }
0x5c: {  	v5 =	vpsel p0, v5, v7;
	v7 =	vmax.f32 v6, $0.0e+00  }
0x5d: {  	[tilespmem:v1+s11+$0x0] =	vst.idx.msk vm0, v5;
	v6 =	vpsel p0, v6, v7  }
0x5e: {  	s16 =	simm.s32 $0x3D30;
	[tilespmem:v2+s11+$0x0] =	vst.idx.msk vm1, v6  }
0x5f: {  	[hbm4b:s4+s12] =	stream.strided.scatter [tilespmem:s11], [sflag:$0x1], $0x3C00, s13, s12, $0x38;
	[tilespmem:$0x77C0] =	vst v63  }
0x60: {  	[tilespmem:s16+$0xFFFFFF10] =	vst v0  }
0x61: {  	[tilespmem:s16+$0x0] =	vst v0  }
0x62: {  	[tilespmem:s16+$0xFFFFFFF0] =	vst v0  }
0x63: {  	[tilespmem:s16+$0xFFFFFFE0] =	vst v0  }
0x64: {  	[tilespmem:s16+$0xFFFFFFD0] =	vst v0  }
0x65: {  	[tilespmem:s16+$0xFFFFFFC0] =	vst v0  }
0x66: {  	[tilespmem:s16+$0xFFFFFFB0] =	vst v0  }
0x67: {  	[tilespmem:s16+$0xFFFFFFA0] =	vst v0  }
0x68: {  	[tilespmem:s16+$0xFFFFFF90] =	vst v0  }
0x69: {  	[tilespmem:s16+$0xFFFFFF80] =	vst v0  }
0x6a: {  	[tilespmem:s16+$0xFFFFFF70] =	vst v0  }
0x6b: {  	[tilespmem:s16+$0xFFFFFF60] =	vst v0  }
0x6c: {  	[tilespmem:s16+$0xFFFFFF50] =	vst v0  }
0x6d: {  	[tilespmem:s16+$0xFFFFFF40] =	vst v0  }
0x6e: {  	s17 =	simm.s32 $0x78;
	[tilespmem:s16+$0xFFFFFF30] =	vst v0  }
.LBB2_4:
0x6f: {  	s17 =	sadd.s32 $0x2, s17;
	[tilespmem:s16+$0xFFFFFF20] =	vst v0;
	s16 =	sadd.s32 $0x100, s16  }
0x70: {  	[tilespmem:s16+$0xFFFFFF10] =	vst v0;
	p0 =	slt.u32 s17, $0xEC  }
0x71: {  	[tilespmem:s16+$0x0] =	vst v0  }
0x72: {  	[tilespmem:s16+$0xFFFFFFF0] =	vst v0  }
0x73: {  	[tilespmem:s16+$0xFFFFFFE0] =	vst v0  }
0x74: {  	[tilespmem:s16+$0xFFFFFFD0] =	vst v0  }
0x75: {  	[tilespmem:s16+$0xFFFFFFC0] =	vst v0  }
0x76: {  	[tilespmem:s16+$0xFFFFFFB0] =	vst v0  }
0x77: {  	[tilespmem:s16+$0xFFFFFFA0] =	vst v0  }
0x78: {  	[tilespmem:s16+$0xFFFFFF90] =	vst v0  }
0x79: {  	[tilespmem:s16+$0xFFFFFF80] =	vst v0  }
.Ltmp1:
0x7a: {  	[tilespmem:s16+$0xFFFFFF70] =	vst v0;
	(pc) =	sbr.rel @p0 .LBB2_4-.Ltmp1, $4  }
0x7b: {  	[tilespmem:s16+$0xFFFFFF60] =	vst v0  }
0x7c: {  	[tilespmem:s16+$0xFFFFFF50] =	vst v0  }
0x7d: {  	[tilespmem:s16+$0xFFFFFF40] =	vst v0  }
0x7e: {  	[tilespmem:s16+$0xFFFFFF30] =	vst v0  }
0x7f: {  	[tilespmem:s16+$0xFFFFFF20] =	vst v0  }
0x80: {  	[tilespmem:$0x7740] =	vst v0  }
0x81: {  	[tilespmem:$0x7750] =	vst v0  }
0x82: {  	vm0 =	vgt.s32 v3, $0x77;
	[tilespmem:$0x7760] =	vst v0  }
0x83: {  	vm1 =	vgt.s32 v4, $0x77;
	[tilespmem:$0x7770] =	vst v0  }
0x84: {  	[tilespmem:$0x7780] =	vst v0  }
0x85: {  	[tilespmem:$0x7790] =	vst v0  }
0x86: {  	[tilespmem:$0x77A0] =	vst v0  }
0x87: {  	[tilespmem:$0x77B0] =	vst v0  }
0x88: {  	[tilespmem:v1+s11+$0x0] =	vst.idx.msk vm0, v5  }
0x89: {  	s15 =	sadd.s32 $0x1, s15;
	[tilespmem:v2+s11+$0x0] =	vst.idx.msk vm1, v6  }
0x8a: {  	[hbm4b:s6+s12] =	stream.strided.scatter [tilespmem:s14], [sflag:$0x2], $0x3B80, s13, s12, $0x38;
	[tilespmem:$0x77C0] =	vst v63  }
0x8b: {  	p0 =	sne.s32 s15, s7;
	_ =	swait.ge [sflag:s8], $0x3B80  }
.Ltmp2:
0x8c: {  	[sflag:s8] =	ssyncset.done $0x0;
	(pc) =	sbr.rel @p0 .LBB2_1-.Ltmp2, $4  }
0x8d: {  	[sflag:s8] =	ssyncadd.s32 $0xFFFFC480  }
0x8e: {  	_ =	swait.ge [sflag:s10], $0x3C00  }
0x8f: {  	[sflag:s10] =	ssyncset.done $0x0  }
0x90: {  	[sflag:s10] =	ssyncadd.s32 $0xFFFFC400  }
0x91: {  	_ =	sfence.sel $0x180000  }
0x92: {  	[bflag:$0x0] =	sbarrier.arrive $0xFFFF  }
0x93: {  	p0 =	sne.s32 s0, $0x0;
	_ =	strace $0x90000047  }
0x94: {  	s0 =	sadd.s32 @!p0 $0x100000, s1;
	[bflag:$0x2] =	sbarrier.arrive $0xFFFF  }
0x95: {  	[sflag:s0] =	ssyncadd.tile.s32 @!p0 $0x1;
	_ =	shalt  }
.Lfunc_end2:
_tile_overlayer_lowered:
.L_overlay_start_2:
0x96: {  	(tag) =	ssettag $0x2  }
0x97: {  	s0 =	rddreg [dreg:$0x0];
	s2 =	stileid.u32  }
0x98: {  	s1 =	rddreg [dreg:$0x1];
	p0 =	sne.s32 s2, $0x0  }
0x99: {  	s3 =	rddreg [dreg:$0x2];
	[bflag:$0x3] =	sbarrier.arrive $0xFFFF;
	s2 =	simm.s32 @!p0 $0x1C02  }
0x9a: {  	[timem:s3], [sflag:s2] =	dma.local @!p0 [hbm:s0], s1  }
0x9b: {  	s0 =	simm.s32 @!p0 $0x2  }
0x9c: {  	_ =	swait.ge @!p0 [sflag:s0], s1  }
0x9d: {  	s1 =	ssub.s32 @!p0 $0x0, s1;
	[sflag:s0] =	ssyncset.done @!p0 $0x0  }
0x9e: {  	[sflag:s0] =	ssyncadd.s32 @!p0 s1  }
0x9f: {  	[bflag:$0x3] =	sbarrier.arrive $0xFFFF  }
0xa0: {  	_ =	shalt  }

</sc_bundles>
